<compile_context>
chip_gen: v7x
topology: tpu7x:2x2x1
jax: 0.10.2.dev20260603
libtpu: 0.0.44.dev20260713+nightly
codegen_flags: <defaults>
</compile_context>

<pallas_src>
import jax
import jax.numpy as jnp
from jax.experimental import pallas as pl

_B, _N = 4, 128
_CROP = 14
_C = 256
_RCH = 32


def _roi_kernel(rois_ref, feat_ref, out_ref):
    r = rois_ref[0]
    x1 = r[:, 0] * (1.0 / 512.0)
    y1 = r[:, 1] * (1.0 / 512.0)
    x2 = r[:, 2] * (1.0 / 512.0)
    y2 = r[:, 3] * (1.0 / 512.0)
    hs = (y2 - y1) * 127.0 / 13.0
    ws = (x2 - x1) * 127.0 / 13.0
    ii = jax.lax.broadcasted_iota(jnp.int32, (_RCH, _CROP), 1).astype(jnp.float32)
    in_y = y1[:, None] * 127.0 + ii * hs[:, None]
    in_x = x1[:, None] * 127.0 + ii * ws[:, None]

    f = feat_ref[0]
    tl = f[0, 0]
    tr = f[0, 1]
    bl = f[1, 0]
    br = f[1, 1]
    top = tl[None, None, :] + in_x[:, :, None] * (tr - tl)[None, None, :]
    bot = bl[None, None, :] + in_x[:, :, None] * (br - bl)[None, None, :]
    topf = top.reshape(_RCH, _CROP * _C)
    diff = (bot - top).reshape(_RCH, _CROP * _C)
    out = topf[:, None, :] + in_y[:, :, None] * diff[:, None, :]
    out_ref[0] = out.reshape(_RCH * _CROP, _CROP * _C)


def kernel(input_features, rois):
    grid = (_B, _N // _RCH)
    out = pl.pallas_call(
        _roi_kernel,
        grid=grid,
        in_specs=[
            pl.BlockSpec((1, _RCH, 4), lambda b, n: (b, n, 0)),
            pl.BlockSpec((1, 8, 8, _C), lambda b, n: (b, 0, 0, 0)),
        ],
        out_specs=pl.BlockSpec(
            (1, _RCH * _CROP, _CROP * _C), lambda b, n: (b, n, 0)
        ),
        out_shape=jax.ShapeDtypeStruct((_B, _N * _CROP, _CROP * _C), jnp.float32),
    )(rois, input_features)
    return out.reshape(_B, _N, _CROP, _CROP, _C)

# --- scband reference (transcript-rebuilt; emitter-appended) ---
"""Pipeline reference for scband-roialign-55405078119272 (READ-ONLY COPY).

The authoritative reference and input builder live on the scoring server;
editing this copy changes nothing except your own understanding.
"""

import jax, jax.numpy as jnp
import numpy as np

BATCH_SIZE = 4
IMAGE_SHAPE = (512, 512, 3)
IMAGE_CUT_SHAPE = (14, 14)
FEAT_H, FEAT_W, C = 128, 128, 256
N_ROIS = 128


def crop_and_resize(image, boxes, box_indices, crop_size):
    # Faithful re-implementation of tf.image.crop_and_resize (bilinear,
    # extrapolation_value=0).  image: [B,H,W,C], boxes: [N,4] (y1,x1,y2,x2)
    # normalized, box_indices: int32 [N].
    crop_h, crop_w = crop_size
    H, W = image.shape[1], image.shape[2]
    y1, x1, y2, x2 = boxes[:, 0], boxes[:, 1], boxes[:, 2], boxes[:, 3]
    h_scale = (y2 - y1) * (H - 1) / (crop_h - 1)
    w_scale = (x2 - x1) * (W - 1) / (crop_w - 1)
    in_y = y1[:, None] * (H - 1) + jnp.arange(crop_h, dtype=jnp.float32)[None, :] * h_scale[:, None]
    in_x = x1[:, None] * (W - 1) + jnp.arange(crop_w, dtype=jnp.float32)[None, :] * w_scale[:, None]
    valid_y = (in_y >= 0) & (in_y <= H - 1)
    valid_x = (in_x >= 0) & (in_x <= W - 1)
    y0f = jnp.floor(in_y)
    x0f = jnp.floor(in_x)
    y_lerp = in_y - y0f
    x_lerp = in_x - x0f
    y0i = jnp.clip(y0f, 0, H - 1).astype(jnp.int32)
    y1i = jnp.clip(y0f + 1, 0, H - 1).astype(jnp.int32)
    x0i = jnp.clip(x0f, 0, W - 1).astype(jnp.int32)
    x1i = jnp.clip(x0f + 1, 0, W - 1).astype(jnp.int32)
    b = box_indices[:, None, None]
    tl = image[b, y0i[:, :, None], x0i[:, None, :], :]
    tr = image[b, y0i[:, :, None], x1i[:, None, :], :]
    bl = image[b, y1i[:, :, None], x0i[:, None, :], :]
    br = image[b, y1i[:, :, None], x1i[:, None, :], :]
    top = tl + (tr - tl) * x_lerp[:, None, :, None]
    bot = bl + (br - bl) * x_lerp[:, None, :, None]
    out = top + (bot - top) * y_lerp[:, :, None, None]
    mask = (valid_y[:, :, None] & valid_x[:, None, :]).astype(out.dtype)[..., None]
    return out * mask


def setup_inputs(seed: int = 0) -> dict:
    key = jax.random.key(seed)
    k1, k2 = jax.random.split(key)
    input_features = jax.random.normal(k1, (BATCH_SIZE, FEAT_H, FEAT_W, C), dtype=jnp.float32)
    rois = jax.random.uniform(k2, (BATCH_SIZE, N_ROIS, 4), dtype=jnp.float32)
    return {"input_features": input_features, "rois": rois}


def reference(input_features, rois):
    x1, y1, x2, y2 = jnp.split(rois, 4, axis=2)
    x1 = x1 / jnp.float32(IMAGE_SHAPE[1])
    x2 = x2 / jnp.float32(IMAGE_SHAPE[1])
    y1 = y1 / jnp.float32(IMAGE_SHAPE[0])
    y2 = y2 / jnp.float32(IMAGE_SHAPE[0])
    boxes = jnp.concatenate([y1, x1, y2, x2], axis=2)
    boxes_cut = boxes.reshape(-1, 4)
    box_indices = jnp.repeat(jnp.arange(BATCH_SIZE, dtype=jnp.int32), rois.shape[1])
    boxes_cut = jax.lax.stop_gradient(boxes_cut)
    feature_cut = crop_and_resize(input_features.astype(jnp.float32), boxes_cut, box_indices, IMAGE_CUT_SHAPE)
    feature_cut = feature_cut.reshape(rois.shape[0], rois.shape[1], IMAGE_CUT_SHAPE[0], IMAGE_CUT_SHAPE[1], input_features.shape[-1])
    return feature_cut

if __name__ == "__main__":
    import jax
    _d = setup_inputs()
    print(jax.jit(kernel)(*tuple(_d.values())))

</pallas_src>

<mosaic_0001>
module attributes {stable_mosaic.version = 14 : i64} {
  func.func @_roi_kernel(%arg0: i32, %arg1: i32, %arg2: memref<1x32x4xf32, #tpu.memory_space<vmem>>, %arg3: memref<1x8x8x256xf32, #tpu.memory_space<vmem>>, %arg4: memref<1x448x3584xf32, #tpu.memory_space<vmem>>) attributes {dimension_semantics = [#tpu.dimension_semantics<arbitrary>, #tpu.dimension_semantics<arbitrary>], iteration_bounds = array<i64: 4, 4>, scalar_prefetch = 0 : i64, scratch_operands = 0 : i64, tpu.core_type = #tpu.core_type<tc>, window_params = [{transform_indices = @transform_0, window_bounds = array<i64: 1, 32, 4>}, {transform_indices = @transform_1, window_bounds = array<i64: 1, 8, 8, 256>}, {transform_indices = @transform_2, window_bounds = array<i64: 1, 448, 3584>}]} {
    %get3A = arith.constant 0 : index
    %get3A_0 = arith.constant 0 : index
    %get3A_1 = arith.constant 0 : index
    %get3A_2 = vector.load %arg2[%get3A, %get3A_0, %get3A_1] : memref<1x32x4xf32, #tpu.memory_space<vmem>>, vector<1x32x4xf32>
    %get3A_3 = vector.shape_cast %get3A_2 : vector<1x32x4xf32> to vector<32x4xf32>
    %slice3A = vector.extract_strided_slice %get3A_3 {offsets = [0, 0], sizes = [32, 1], strides = [1, 1]} : vector<32x4xf32> to vector<32x1xf32>
    %squeeze3A = vector.shape_cast %slice3A : vector<32x1xf32> to vector<32xf32>
    %mul3A = arith.constant 0.001953125 : f32
    %mul3A_4 = vector.broadcast %mul3A : f32 to vector<32xf32>
    %mul3A_5 = arith.mulf %squeeze3A, %mul3A_4 : vector<32xf32>
    %slice3A_6 = vector.extract_strided_slice %get3A_3 {offsets = [0, 1], sizes = [32, 1], strides = [1, 1]} : vector<32x4xf32> to vector<32x1xf32>
    %squeeze3A_7 = vector.shape_cast %slice3A_6 : vector<32x1xf32> to vector<32xf32>
    %mul3A_8 = arith.constant 0.001953125 : f32
    %mul3A_9 = vector.broadcast %mul3A_8 : f32 to vector<32xf32>
    %mul3A_10 = arith.mulf %squeeze3A_7, %mul3A_9 : vector<32xf32>
    %slice3A_11 = vector.extract_strided_slice %get3A_3 {offsets = [0, 2], sizes = [32, 1], strides = [1, 1]} : vector<32x4xf32> to vector<32x1xf32>
    %squeeze3A_12 = vector.shape_cast %slice3A_11 : vector<32x1xf32> to vector<32xf32>
    %mul3A_13 = arith.constant 0.001953125 : f32
    %mul3A_14 = vector.broadcast %mul3A_13 : f32 to vector<32xf32>
    %mul3A_15 = arith.mulf %squeeze3A_12, %mul3A_14 : vector<32xf32>
    %slice3A_16 = vector.extract_strided_slice %get3A_3 {offsets = [0, 3], sizes = [32, 1], strides = [1, 1]} : vector<32x4xf32> to vector<32x1xf32>
    %squeeze3A_17 = vector.shape_cast %slice3A_16 : vector<32x1xf32> to vector<32xf32>
    %mul3A_18 = arith.constant 0.001953125 : f32
    %mul3A_19 = vector.broadcast %mul3A_18 : f32 to vector<32xf32>
    %mul3A_20 = arith.mulf %squeeze3A_17, %mul3A_19 : vector<32xf32>
    %sub3A = arith.subf %mul3A_20, %mul3A_10 : vector<32xf32>
    %mul3A_21 = arith.constant 1.270000e+02 : f32
    %mul3A_22 = vector.broadcast %mul3A_21 : f32 to vector<32xf32>
    %mul3A_23 = arith.mulf %sub3A, %mul3A_22 : vector<32xf32>
    %div3A = arith.constant 1.300000e+01 : f32
    %div3A_24 = vector.broadcast %div3A : f32 to vector<32xf32>
    %div3A_25 = arith.divf %mul3A_23, %div3A_24 : vector<32xf32>
    %sub3A_26 = arith.subf %mul3A_15, %mul3A_5 : vector<32xf32>
    %mul3A_27 = arith.constant 1.270000e+02 : f32
    %mul3A_28 = vector.broadcast %mul3A_27 : f32 to vector<32xf32>
    %mul3A_29 = arith.mulf %sub3A_26, %mul3A_28 : vector<32xf32>
    %div3A_30 = arith.constant 1.300000e+01 : f32
    %div3A_31 = vector.broadcast %div3A_30 : f32 to vector<32xf32>
    %div3A_32 = arith.divf %mul3A_29, %div3A_31 : vector<32xf32>
    %iota3A = tpu.iota {dimensions = array<i32: 1>} : vector<32x14xi32>
    %convert_element_type3A = arith.sitofp %iota3A : vector<32x14xi32> to vector<32x14xf32>
    %broadcast_in_dim3A = vector.shape_cast %mul3A_10 : vector<32xf32> to vector<32x1xf32>
    %mul3A_33 = arith.constant 1.270000e+02 : f32
    %mul3A_34 = vector.broadcast %mul3A_33 : f32 to vector<32x1xf32>
    %mul3A_35 = arith.mulf %broadcast_in_dim3A, %mul3A_34 : vector<32x1xf32>
    %broadcast_in_dim3A_36 = vector.shape_cast %div3A_25 : vector<32xf32> to vector<32x1xf32>
    %mul3A_37 = vector.broadcast %broadcast_in_dim3A_36 : vector<32x1xf32> to vector<32x14xf32>
    %mul3A_38 = arith.mulf %convert_element_type3A, %mul3A_37 : vector<32x14xf32>
    %add3A = vector.broadcast %mul3A_35 : vector<32x1xf32> to vector<32x14xf32>
    %add3A_39 = arith.addf %add3A, %mul3A_38 : vector<32x14xf32>
    %broadcast_in_dim3A_40 = vector.shape_cast %mul3A_5 : vector<32xf32> to vector<32x1xf32>
    %mul3A_41 = arith.constant 1.270000e+02 : f32
    %mul3A_42 = vector.broadcast %mul3A_41 : f32 to vector<32x1xf32>
    %mul3A_43 = arith.mulf %broadcast_in_dim3A_40, %mul3A_42 : vector<32x1xf32>
    %broadcast_in_dim3A_44 = vector.shape_cast %div3A_32 : vector<32xf32> to vector<32x1xf32>
    %mul3A_45 = vector.broadcast %broadcast_in_dim3A_44 : vector<32x1xf32> to vector<32x14xf32>
    %mul3A_46 = arith.mulf %convert_element_type3A, %mul3A_45 : vector<32x14xf32>
    %add3A_47 = vector.broadcast %mul3A_43 : vector<32x1xf32> to vector<32x14xf32>
    %add3A_48 = arith.addf %add3A_47, %mul3A_46 : vector<32x14xf32>
    %get3A_49 = arith.constant 0 : index
    %get3A_50 = arith.constant 0 : index
    %get3A_51 = arith.constant 0 : index
    %get3A_52 = arith.constant 0 : index
    %get3A_53 = vector.load %arg3[%get3A_49, %get3A_50, %get3A_51, %get3A_52] : memref<1x8x8x256xf32, #tpu.memory_space<vmem>>, vector<1x8x8x256xf32>
    %get3A_54 = vector.shape_cast %get3A_53 : vector<1x8x8x256xf32> to vector<8x8x256xf32>
    %slice3A_55 = vector.extract_strided_slice %get3A_54 {offsets = [0, 0, 0], sizes = [1, 1, 256], strides = [1, 1, 1]} : vector<8x8x256xf32> to vector<1x1x256xf32>
    %squeeze3A_56 = vector.shape_cast %slice3A_55 : vector<1x1x256xf32> to vector<256xf32>
    %slice3A_57 = vector.extract_strided_slice %get3A_54 {offsets = [0, 1, 0], sizes = [1, 1, 256], strides = [1, 1, 1]} : vector<8x8x256xf32> to vector<1x1x256xf32>
    %squeeze3A_58 = vector.shape_cast %slice3A_57 : vector<1x1x256xf32> to vector<256xf32>
    %slice3A_59 = vector.extract_strided_slice %get3A_54 {offsets = [1, 0, 0], sizes = [1, 1, 256], strides = [1, 1, 1]} : vector<8x8x256xf32> to vector<1x1x256xf32>
    %squeeze3A_60 = vector.shape_cast %slice3A_59 : vector<1x1x256xf32> to vector<256xf32>
    %slice3A_61 = vector.extract_strided_slice %get3A_54 {offsets = [1, 1, 0], sizes = [1, 1, 256], strides = [1, 1, 1]} : vector<8x8x256xf32> to vector<1x1x256xf32>
    %squeeze3A_62 = vector.shape_cast %slice3A_61 : vector<1x1x256xf32> to vector<256xf32>
    %broadcast_in_dim3A_63 = vector.shape_cast %squeeze3A_56 : vector<256xf32> to vector<1x1x256xf32>
    %broadcast_in_dim3A_64 = vector.shape_cast %add3A_48 : vector<32x14xf32> to vector<32x14x1xf32>
    %sub3A_65 = arith.subf %squeeze3A_58, %squeeze3A_56 : vector<256xf32>
    %broadcast_in_dim3A_66 = vector.shape_cast %sub3A_65 : vector<256xf32> to vector<1x1x256xf32>
    %mul3A_67 = vector.broadcast %broadcast_in_dim3A_64 : vector<32x14x1xf32> to vector<32x14x256xf32>
    %mul3A_68 = vector.broadcast %broadcast_in_dim3A_66 : vector<1x1x256xf32> to vector<32x14x256xf32>
    %mul3A_69 = arith.mulf %mul3A_67, %mul3A_68 : vector<32x14x256xf32>
    %add3A_70 = vector.broadcast %broadcast_in_dim3A_63 : vector<1x1x256xf32> to vector<32x14x256xf32>
    %add3A_71 = arith.addf %add3A_70, %mul3A_69 : vector<32x14x256xf32>
    %broadcast_in_dim3A_72 = vector.shape_cast %squeeze3A_60 : vector<256xf32> to vector<1x1x256xf32>
    %broadcast_in_dim3A_73 = vector.shape_cast %add3A_48 : vector<32x14xf32> to vector<32x14x1xf32>
    %sub3A_74 = arith.subf %squeeze3A_62, %squeeze3A_60 : vector<256xf32>
    %broadcast_in_dim3A_75 = vector.shape_cast %sub3A_74 : vector<256xf32> to vector<1x1x256xf32>
    %mul3A_76 = vector.broadcast %broadcast_in_dim3A_73 : vector<32x14x1xf32> to vector<32x14x256xf32>
    %mul3A_77 = vector.broadcast %broadcast_in_dim3A_75 : vector<1x1x256xf32> to vector<32x14x256xf32>
    %mul3A_78 = arith.mulf %mul3A_76, %mul3A_77 : vector<32x14x256xf32>
    %add3A_79 = vector.broadcast %broadcast_in_dim3A_72 : vector<1x1x256xf32> to vector<32x14x256xf32>
    %add3A_80 = arith.addf %add3A_79, %mul3A_78 : vector<32x14x256xf32>
    %reshape3A = vector.shape_cast %add3A_71 : vector<32x14x256xf32> to vector<32x3584xf32>
    %sub3A_81 = arith.subf %add3A_80, %add3A_71 : vector<32x14x256xf32>
    %reshape3A_82 = vector.shape_cast %sub3A_81 : vector<32x14x256xf32> to vector<32x3584xf32>
    %broadcast_in_dim3A_83 = vector.shape_cast %reshape3A : vector<32x3584xf32> to vector<32x1x3584xf32>
    %broadcast_in_dim3A_84 = vector.shape_cast %add3A_39 : vector<32x14xf32> to vector<32x14x1xf32>
    %broadcast_in_dim3A_85 = vector.shape_cast %reshape3A_82 : vector<32x3584xf32> to vector<32x1x3584xf32>
    %mul3A_86 = vector.broadcast %broadcast_in_dim3A_84 : vector<32x14x1xf32> to vector<32x14x3584xf32>
    %mul3A_87 = vector.broadcast %broadcast_in_dim3A_85 : vector<32x1x3584xf32> to vector<32x14x3584xf32>
    %mul3A_88 = arith.mulf %mul3A_86, %mul3A_87 : vector<32x14x3584xf32>
    %add3A_89 = vector.broadcast %broadcast_in_dim3A_83 : vector<32x1x3584xf32> to vector<32x14x3584xf32>
    %add3A_90 = arith.addf %add3A_89, %mul3A_88 : vector<32x14x3584xf32>
    %reshape3A_91 = vector.shape_cast %add3A_90 : vector<32x14x3584xf32> to vector<448x3584xf32>
    %swap3A = arith.constant 0 : index
    %swap3A_92 = arith.constant 0 : index
    %swap3A_93 = arith.constant 0 : index
    %swap3A_94 = vector.load %arg4[%swap3A, %swap3A_92, %swap3A_93] : memref<1x448x3584xf32, #tpu.memory_space<vmem>>, vector<1x448x3584xf32>
    %swap3A_95 = vector.shape_cast %swap3A_94 : vector<1x448x3584xf32> to vector<448x3584xf32>
    %swap3A_96 = vector.shape_cast %reshape3A_91 : vector<448x3584xf32> to vector<1x448x3584xf32>
    tpu.vector_store %arg4[%swap3A, %swap3A_92, %swap3A_93], %swap3A_96 {strides = array<i32>} : memref<1x448x3584xf32, #tpu.memory_space<vmem>>, vector<1x448x3584xf32>,
    return
  }
  func.func @transform_0(%arg0: i32, %arg1: i32) -> (i32, i32, i32) {
    %c0_i32 = arith.constant 0 : i32
    %c0_i32_0 = arith.constant 0 : i32
    return %arg0, %arg1, %c0_i32 : i32, i32, i32
  }
  func.func @transform_1(%arg0: i32, %arg1: i32) -> (i32, i32, i32, i32) {
    %c0_i32 = arith.constant 0 : i32
    %c0_i32_0 = arith.constant 0 : i32
    %c0_i32_1 = arith.constant 0 : i32
    %c0_i32_2 = arith.constant 0 : i32
    return %arg0, %c0_i32, %c0_i32_0, %c0_i32_1 : i32, i32, i32, i32
  }
  func.func @transform_2(%arg0: i32, %arg1: i32) -> (i32, i32, i32) {
    %c0_i32 = arith.constant 0 : i32
    %c0_i32_0 = arith.constant 0 : i32
    return %arg0, %arg1, %c0_i32 : i32, i32, i32
  }
}

</mosaic_0001>

<sc_bundles>
// kernel: sparse-core-data-format-call.cloned.1.call-start
scs
called_computation_lowered:
.L_overlay_start_0:
0x0: {  	s2 =	sld [smem:$0x3FD9]  }
0x1: {  	s3 =	sld [smem:$0x3FFE];
	_ =	sdelay $0x1  }
0x2: {  	s1 =	srdreg.scid  }
0x3: {  	s0 =	sand.u32 $0x1, s1  }
0x4: {  	s18 =	sshll.u32 s0, $0xA;
	s2 =	sadd.s32 s3, s2  }
0x5: {  	s2 =	sadd.s32 s2, s18  }
0x6: {  	[smem:$0x3FC6] =	sst s2  }
0x7: {  	_ = 	snop  }
0x8: {  	s2 =	sld [smem:$0x3FD0];
	(tm) =	ssettm $0x1  }
0x9: {  	s19 =	sld [smem:$0x3FFB];
	_ =	sdelay $0x3  }
0xa: {  	_ =	strace s19  }
0xb: {  	s3 =	sld [smem:$0x3FFC];
	_ =	sdelay $0x3  }
0xc: {  	_ =	strace s3  }
0xd: {  	s3 =	sld [smem:$0x3FFD];
	_ =	sdelay $0x3  }
0xe: {  	_ =	strace s3  }
0xf: {  	_ =	strace $0x8FFFFFFF  }
0x10: {  	s20 =	sld [smem:$0x3FDB];
	_ =	sdelay $0x1  }
0x11: {  	s4 =	simm.s32 $_scs_section_size  }
0x12: {  	s5 =	simm.s32 $_size__tile_overlayer_lowered;
	s6 =	simm.s32 $_tile_overlayer_lowered  }
0x13: {  	s23 =	simm.s32 $0x1BFF;
	s22 =	sshll.u32 s6, $0x1;
	s3 =	sadd.s32 s4, s20  }
0x14: {  	s7 =	simm.s32 $0x0;
	s21 =	sshll.u32 s5, $0x1;
	s5 =	sadd.s32 s22, s3  }
0x15: {  	[timem:s7], [sflag:s23] =	dma.local [hbm:s5], s21  }
0x16: {  	_ =	swait.ge [sflag:s23], s21  }
0x17: {  	s4 =	ssub.s32 $0x0, s21;
	[sflag:s23] =	ssyncset.done $0x0  }
0x18: {  	[sflag:s23] =	ssyncadd.s32 s4;
	_ =	sdelay $0x1  }
0x19: {  	s24 =	simm.s32 $0x1B8B  }
0x1a: {  	_ =	swait.ge [sflag:s24], $0x1  }
0x1b: {  	[sflag:s24] =	ssyncset.done $0x0  }
0x1c: {  	s26 =	simm.s32 $0x1B8E;
	s25 =	sld [smem:$0x3FFE];
	[sflag:s24] =	ssyncadd.s32 $0xFFFFFFFF  }
0x1d: {  	s27 =	simm.s32 $execute0_lowered;
	[smem:$0x3FD2] =	sst s26  }
0x1e: {  	s5 =	sshll.u32 s27, $0x1;
	_ =	strace $0x80000046;
	[dreg:$0x1] =	wrdreg $0xFFFFFFFF  }
0x1f: {  	s28 =	simm.s32 $_size_execute0_lowered;
	s3 =	sadd.s32 s3, s5;
	[dreg:$0x0] =	wrdreg $0x0  }
0x20: {  	s5 =	sshll.u32 s28, $0x1;
	[dreg:$0x2] =	wrdreg s3  }
0x21: {  	[dreg:$0x3] =	wrdreg s5  }
0x22: {  	[dreg:$0x4] =	wrdreg $0xC0  }
0x23: {  	_ =	task [dreg:s7], $0x5FFFF  }
0x24: {  	[dreg:$0x1] =	wrdreg $0xFFFFFFFF  }
0x25: {  	[dreg:$0x0] =	wrdreg $0x60  }
0x26: {  	[dreg:$0x2] =	wrdreg s25  }
0x27: {  	[dreg:$0x3] =	wrdreg s2  }
0x28: {  	[dreg:$0x4] =	wrdreg $0x9  }
0x29: {  	_ =	task.clear_ibuf [dreg:s7], $0x5FFFF;
	_ =	strace $0x90000046  }
0x2a: {  	s29 =	simm.s32 $0x9;
	_ =	strace $0x80000048  }
0x2b: {  	_ =	swait.ge [sflag:s29], $0x1  }
0x2c: {  	[sflag:s29] =	ssyncadd.s32 $0xFFFFFFFF  }
0x2d: {  	_ =	strace $0x90000048  }
0x2e: {  	_ =	sfence  }
0x2f: {  	s30 =	sld [smem:$0x0];
	_ =	sdelay $0x2  }
0x30: {  	s31 =	sshll.u32 s1, $0xD;
	s1 =	sshrl.u32 s1, $0x2  }
0x31: {  	s3 =	sand.u32 $0x4000, s31;
	s1 =	sadd.s32 s1, s30  }
0x32: {  	s0 =	sor.u32 s3, s0;
	s1 =	sshll.u32 s1, $0x11  }
0x33: {  	s0 =	sor.u32 s1, s0  }
0x34: {  	s0 =	sadd.s32 $0x8F2B, s0  }
0x35: {  	[sflag:s0] =	ssyncadd.remote.s32 $0x1  }
0x36: {  	_ =	sfence.sel $0xFFFF  }
0x37: {  	[dreg:$0x0] =	wrdreg $0xFFFFFFFF;
	(pc) =	sbr.abs _section_cstart, $3  }
0x38: {  	[dreg:$0x1] =	wrdreg $0xFFFFFFFF  }
0x39: {  	_ =	task.clear_ibuf [dreg:s7], $0x2FFFF;
	_ =	strace $0x9FFFFFFF  }
0x3a: {  	(tm) =	ssettm $0x7FFFFFFF  }
0x3b: {  	_ =	shalt  }
tec
execute0_lowered:
.L_overlay_start_1:
0x0: {  	(tag) =	ssettag $0x1  }
0x1: {  	s0 =	srdreg.scid  }
0x2: {  	s5 =	rddreg [dreg:$0x0];
	s9 =	simm.s32 $0x2;
	s22 =	simm.s32 $0x0  }
0x3: {  	s11 =	simm.s32 $0x400;
	s12 =	simm.s32 $0x800;
	s0 =	sshll.u32 s0, $0x7  }
0x4: {  	s13 =	simm.s32 $0x0;
	s19 =	simm.s32 $0x0;
	s1 =	sand.u32 $0x80, s0  }
0x5: {  	s21 =	simm.s32 $0x0;
	s0 =	stileid.u32;
	s2 =	ssub.s32 $0x100, s1  }
0x6: {  	s20 =	simm.s32 $0x0;
	s3 =	sshrl.u32 s0, $0x2;
	s4 =	sshrl.u32 s2, $0x7  }
0x7: {  	s6 =	ssub.s32 $0x11, s3;
	s2 =	sshrl.u32 s2, $0x8;
	s7 =	sand.u32 $0x1, s4  }
0x8: {  	s23 =	simm.s32 $0x0;
	s6 =	sshrl.u32 s6, $0x2;
	s7 =	sadd.s32 s2, s7  }
0x9: {  	s14 =	simm.s32 $0x0;
	s16 =	simm.s32 $0x0;
	s7 =	smul.u32 s7, s6  }
.Ltmp0:
0xa: {  	s18 =	simm.s32 $0x0;
	s4 =	rddreg [dreg:$0x1];
	(pc) =	sbr.rel .LBB1_1-.Ltmp0, $4  }
0xb: {  	s5 =	sadd.s32 $0x400, s5;
	s8 =	sand.u32 $0x3, s0;
	s2 =	rddreg [dreg:$0x2]  }
0xc: {  	_ =	strace $0x80000047;
	s6 =	simm.s32 $0x1;
	s7 =	smul.u32 $0xE, s7  }
0xd: {  	s15 =	smov.u32 s3;
	s17 =	smov.u32 s8;
	[sflag:s6] =	ssyncpa.u1 $0x0  }
0xe: {  	[sflag:s9] =	ssyncpa.u1 $0x0;
	s9 =	sshll.u32 s1, $0x3;
	s10 =	sor.u32 $0x1, s7  }
.LBB1_4:
0xf: {  	_ =	sdelay $0x3  }
0x10: {  	[tilespmem:v0+s26+$0xFFFFFFD0 ss:$0x1] =	vst.idx.msk $0xffff, v6  }
0x11: {  	v56 =	vld.idx.msk [tilespmem:v1+s25+$0x0 ss:$0x1], $0xffff;
	[tilespmem:v0+s26+$0xFFFFFFE0 ss:$0x1] =	vst.idx.msk $0xffff, v4  }
0x12: {  	v57 =	vld.idx.msk [tilespmem:v1+s25+$0xFFFFFF90 ss:$0x1], $0xffff;
	[tilespmem:v0+s26+$0xFFFFFFF0 ss:$0x1] =	vst.idx.msk $0xffff, v2  }
0x13: {  	v58 =	vld.idx.msk [tilespmem:v1+s25+$0xFFFFFFA0 ss:$0x1], $0xffff;
	[tilespmem:v0+s26+$0x0 ss:$0x1] =	vst.idx.msk $0xffff, v3  }
0x14: {  	v59 =	vld.idx.msk [tilespmem:v1+s25+$0xFFFFFFB0 ss:$0x1], $0xffff;
	[tilespmem:v0+s26+$0x10 ss:$0x1] =	vst.idx.msk $0xffff, v5  }
0x15: {  	v60 =	vld.idx.msk [tilespmem:v1+s25+$0xFFFFFFC0 ss:$0x1], $0xffff;
	[tilespmem:v0+s26+$0x20 ss:$0x1] =	vst.idx.msk $0xffff, v7  }
0x16: {  	s28 =	sshll.u32 s20, $0x8;
	v61 =	vld.idx.msk [tilespmem:v1+s25+$0xFFFFFFD0 ss:$0x1], $0xffff;
	[tilespmem:v0+s25+$0x30 ss:$0x1] =	vst.idx.msk $0xffff, v56  }
0x17: {  	v62 =	vld.idx.msk [tilespmem:v1+s25+$0xFFFFFFE0 ss:$0x1], $0xffff;
	s22 =	sshll.u32 s22, $0x3;
	s27 =	sshll.u32 s20, $0x7;
	s23 =	smul.u32 $0xC4000, s23;
	[tilespmem:v0+s25+$0xFFFFFFC0 ss:$0x1] =	vst.idx.msk $0xffff, v57  }
0x18: {  	v63 =	vld.idx.msk [tilespmem:v1+s25+$0xFFFFFFF0 ss:$0x1], $0xffff;
	s21 =	smul.u32 $0xE000, s21;
	s19 =	sshll.u32 s19, $0xC;
	s26 =	sand.u32 $0x7800, s28;
	[tilespmem:v0+s25+$0xFFFFFFD0 ss:$0x1] =	vst.idx.msk $0xffff, v58  }
0x19: {  	s29 =	sand.u32 $0x300, s27;
	s22 =	sor.u32 s26, s22;
	s23 =	sadd.s32 s4, s23;
	[tilespmem:v0+s25+$0xFFFFFFE0 ss:$0x1] =	vst.idx.msk $0xffff, v59  }
0x1a: {  	s30 =	sshll.u32 s20, $0x4;
	s22 =	sor.u32 s29, s22;
	s21 =	sadd.s32 s21, s23;
	[tilespmem:v0+s25+$0xFFFFFFF0 ss:$0x1] =	vst.idx.msk $0xffff, v60  }
0x1b: {  	s20 =	sand.u32 $0x10, s30;
	s22 =	sshrl.u32 s22, $0x3;
	s19 =	sadd.s32 s19, s21;
	[tilespmem:v0+s25+$0x0 ss:$0x1] =	vst.idx.msk $0xffff, v61  }
0x1c: {  	[tilespmem:v0+s25+$0x10 ss:$0x1] =	vst.idx.msk $0xffff, v62;
	s31 =	sand.u32 $0xFE0, s22;
	s19 =	sadd.s32 s20, s19  }
0x1d: {  	[tilespmem:v0+s25+$0x20 ss:$0x1] =	vst.idx.msk $0xffff, v63;
	s19 =	sadd.s32 s31, s19  }
0x1e: {  	[hbm4b:s19+s11] =	stream.strided.scatter [tilespmem:s24], [sflag:$0x2], $0x4000, s12, s11, $0x38;
	[tilespmem:$0x10000] =	vst v63  }
.LBB1_5:
0x1f: {  	s24 =	sadd.s32 $0x1, s14  }
0x20: {  	s19 =	sadd.s32 $0x4, s15;
	s25 =	smov.u32 s15;
	p1 =	sgt.s32 s24, $0xD  }
0x21: {  	s25 =	smov.u32 @p1 s19  }
0x22: {  	s26 =	smov.u32 s16;
	s19 =	sadd.s32 $0x80, s16;
	p2 =	sgt.s32 s25, $0xD  }
0x23: {  	s26 =	smov.u32 @p2 s19  }
0x24: {  	s27 =	smov.u32 s17;
	s19 =	sadd.s32 $0x4, s17;
	p3 =	sgt.s32 s26, $0x7F  }
0x25: {  	p0 =	slt.u32 s18, $0x2;
	s21 =	smov.u32 s15;
	s27 =	smov.u32 @p3 s19  }
0x26: {  	s20 =	smov.u32 s16;
	s24 =	simm.s32 @p1 $0x0;
	p1 =	sgt.s32 s27, $0x3  }
0x27: {  	s22 =	simm.s32 @!p0 $0x2;
	s27 =	smov.u32 @p1 s8;
	p1 =	sne.s32 s18, s10  }
.Ltmp1:
0x28: {  	s23 =	smov.u32 s17;
	_ =	swait.ge @!p0 [sflag:s22], $0x4000;
	(pc) =	sbr.rel @!p1 .LBB1_6-.Ltmp1, $4  }
0x29: {  	s13 =	sadd.s32 $0x4000, s13;
	[sflag:s22] =	ssyncset.done @!p0 $0x0;
	s25 =	smov.u32 @p2 s3  }
0x2a: {  	[sflag:s22] =	ssyncadd.s32 @!p0 $0xFFFFC000;
	s22 =	smov.u32 s1;
	s15 =	smov.u32 s25  }
0x2b: {  	s26 =	simm.s32 @p3 $0x0;
	s19 =	smov.u32 s14;
	s14 =	smov.u32 s24  }
0x2c: {  	s16 =	smov.u32 s26;
	s18 =	sadd.s32 $0x1, s18;
	s17 =	smov.u32 s27  }
.LBB1_1:
0x2d: {  	p0 =	sge.u32 s18, s7  }
0x2e: {  	s31 =	sadd.s32 $0xFFFFFFFF, s18;
	s24 =	sxor.u32 @!p0 $0xFFFFFFFF, s18  }
0x2f: {  	s25 =	sshll.u32 @!p0 s14, $0x8;
	s26 =	smul.u32 @!p0 $0xE0000, s17;
	s27 =	sshll.u32 @!p0 s14, $0x7  }
0x30: {  	s28 =	smul.u32 @!p0 $0x1C00, s16;
	s29 =	sshll.u32 @!p0 s15, $0x9;
	s24 =	sshll.u32 @!p0 s24, $0xE  }
0x31: {  	s25 =	sand.u32 @!p0 $0x800, s25;
	s27 =	sand.u32 @!p0 $0x300, s27;
	s26 =	sadd.s32 @!p0 s5, s26  }
0x32: {  	s25 =	sor.u32 @!p0 s9, s25;
	s26 =	sadd.s32 @!p0 s28, s26;
	s28 =	sshll.u32 @!p0 s14, $0x4  }
0x33: {  	s25 =	sor.u32 @!p0 s27, s25;
	s27 =	sand.u32 @!p0 $0x10, s28;
	s26 =	sadd.s32 @!p0 s29, s26  }
0x34: {  	s24 =	sand.u32 @!p0 $0x4000, s24;
	s25 =	sshrl.u32 @!p0 s25, $0x3;
	s26 =	sadd.s32 @!p0 s27, s26  }
0x35: {  	s27 =	simm.s32 @!p0 $0xE000;
	s25 =	sadd.s32 @!p0 s25, s26;
	s26 =	simm.s32 @!p0 $0x80  }
0x36: {  	[tilespmem:s24], [sflag:$0x1] =	stream.strided.gather @!p0 [hbm4b:s25+s26], $0x4000, s27, s26, $0x38;
	[tilespmem:$0x10000] =	vst v63  }
0x37: {  	p0 =	sge.u32 s31, s7  }
.Ltmp2:
0x38: {  	_ = 	snop;
	(pc) =	sbr.rel @p0 .LBB1_5-.Ltmp2, $1  }
0x39: {  	_ =	sdelay $0x3  }
0x3a: {  	s24 =	sand.u32 $0x4000, s13  }
0x3b: {  	s25 =	sor.u32 $0x70, s24  }
0x3c: {  	v1 =	vmov s25;
	_ =	sdelay $0x1  }
0x3d: {  	_ =	swait.ge [sflag:s6], $0x4000  }
0x3e: {  	[sflag:s6] =	ssyncset.done $0x0  }
0x3f: {  	s26 =	simm.s32 $0x0;
	[sflag:s6] =	ssyncadd.s32 $0xFFFFC000  }
0x40: {  	s24 =	sor.u32 $0x8040, s24;
	v7 =	vld.idx.msk [tilespmem:v1+s26+$0x0 ss:$0x1], $0xffff  }
0x41: {  	v0 =	vmov s24;
	v8 =	vld.idx.msk [tilespmem:v1+s26+$0xFFFFFF90 ss:$0x1], $0xffff  }
0x42: {  	v6 =	vld.idx.msk [tilespmem:v1+s26+$0xFFFFFFA0 ss:$0x1], $0xffff  }
0x43: {  	v4 =	vld.idx.msk [tilespmem:v1+s26+$0xFFFFFFB0 ss:$0x1], $0xffff  }
0x44: {  	v2 =	vld.idx.msk [tilespmem:v1+s26+$0xFFFFFFC0 ss:$0x1], $0xffff  }
0x45: {  	s31 =	sshll.u32 s18, $0xE;
	v3 =	vld.idx.msk [tilespmem:v1+s26+$0xFFFFFFD0 ss:$0x1], $0xffff  }
0x46: {  	s24 =	sand.u32 $0x4000, s31;
	v5 =	vld.idx.msk [tilespmem:v1+s26+$0xFFFFFFE0 ss:$0x1], $0xffff;
	[tilespmem:v0+s26+$0x30 ss:$0x1] =	vst.idx.msk $0xffff, v7  }
0x47: {  	s27 =	simm.s32 $0x400;
	s25 =	simm.s32 $0x80;
	s24 =	sor.u32 $0x8000, s24;
	[tilespmem:v0+s26+$0xFFFFFFC0 ss:$0x1] =	vst.idx.msk $0xffff, v8;
	v7 =	vld.idx.msk [tilespmem:v1+s26+$0xFFFFFFF0 ss:$0x1], $0xffff  }
.LBB1_3:
0x48: {  	p0 =	sne.s32 s27, $0xFE00;
	v8 =	vld.idx.msk [tilespmem:v1+s25+$0x0 ss:$0x1], $0xffff;
	[tilespmem:v0+s26+$0xFFFFFFD0 ss:$0x1] =	vst.idx.msk $0xffff, v6  }
0x49: {  	v9 =	vld.idx.msk [tilespmem:v1+s25+$0xFFFFFF90 ss:$0x1], $0xffff;
	[tilespmem:v0+s26+$0xFFFFFFE0 ss:$0x1] =	vst.idx.msk $0xffff, v4  }
0x4a: {  	v6 =	vld.idx.msk [tilespmem:v1+s25+$0xFFFFFFA0 ss:$0x1], $0xffff;
	[tilespmem:v0+s26+$0xFFFFFFF0 ss:$0x1] =	vst.idx.msk $0xffff, v2  }
.Ltmp3:
0x4b: {  	v4 =	vld.idx.msk [tilespmem:v1+s25+$0xFFFFFFB0 ss:$0x1], $0xffff;
	[tilespmem:v0+s26+$0x0 ss:$0x1] =	vst.idx.msk $0xffff, v3;
	(pc) =	sbr.rel @p0 .LBB1_3-.Ltmp3, $4  }
0x4c: {  	v2 =	vld.idx.msk [tilespmem:v1+s25+$0xFFFFFFC0 ss:$0x1], $0xffff;
	[tilespmem:v0+s26+$0x10 ss:$0x1] =	vst.idx.msk $0xffff, v5  }
0x4d: {  	v3 =	vld.idx.msk [tilespmem:v1+s25+$0xFFFFFFD0 ss:$0x1], $0xffff;
	[tilespmem:v0+s26+$0x20 ss:$0x1] =	vst.idx.msk $0xffff, v7;
	s26 =	smov.u32 s25  }
0x4e: {  	v5 =	vld.idx.msk [tilespmem:v1+s26+$0xFFFFFFE0 ss:$0x1], $0xffff;
	[tilespmem:v0+s26+$0x30 ss:$0x1] =	vst.idx.msk $0xffff, v8  }
0x4f: {  	s25 =	sshra.s32 s27, $0x2;
	s27 =	sadd.s32 $0x200, s27;
	[tilespmem:v0+s26+$0xFFFFFFC0 ss:$0x1] =	vst.idx.msk $0xffff, v9;
	v7 =	vld.idx.msk [tilespmem:v1+s26+$0xFFFFFFF0 ss:$0x1], $0xffff  }
.Ltmp4:
0x50: {  	_ = 	snop;
	(pc) =	sbr.rel .LBB1_4-.Ltmp4, $1  }
0x51: {  	_ =	sdelay $0x3  }
.LBB1_6:
0x52: {  	_ =	sfence.sel $0x180000  }
0x53: {  	s1 =	simm.s32 $0x1;
	[bflag:$0x0] =	sbarrier.arrive $0xFFFF  }
0x54: {  	s31 =	simm.s32 $0x2;
	[sflag:s1] =	ssyncpa.u1 $0x1  }
0x55: {  	[sflag:s31] =	ssyncpa.u1 $0x1  }
0x56: {  	p0 =	sne.s32 s0, $0x0;
	_ =	strace $0x90000047  }
0x57: {  	s0 =	sadd.s32 @!p0 $0x100000, s2;
	[bflag:$0x2] =	sbarrier.arrive $0xFFFF  }
0x58: {  	[sflag:s0] =	ssyncadd.tile.s32 @!p0 $0x1;
	_ =	shalt  }
.Lfunc_end1:
_tile_overlayer_lowered:
.L_overlay_start_2:
0x59: {  	(tag) =	ssettag $0x2  }
0x5a: {  	s0 =	rddreg [dreg:$0x0];
	s2 =	stileid.u32  }
0x5b: {  	s1 =	rddreg [dreg:$0x1];
	p0 =	sne.s32 s2, $0x0  }
0x5c: {  	s3 =	rddreg [dreg:$0x2];
	[bflag:$0x3] =	sbarrier.arrive $0xFFFF;
	s2 =	simm.s32 @!p0 $0x1C01  }
0x5d: {  	[timem:s3], [sflag:s2] =	dma.local @!p0 [hbm:s0], s1  }
0x5e: {  	s0 =	simm.s32 @!p0 $0x1  }
0x5f: {  	_ =	swait.ge @!p0 [sflag:s0], s1  }
0x60: {  	s1 =	ssub.s32 @!p0 $0x0, s1;
	[sflag:s0] =	ssyncset.done @!p0 $0x0  }
0x61: {  	[sflag:s0] =	ssyncadd.s32 @!p0 s1  }
0x62: {  	[bflag:$0x3] =	sbarrier.arrive $0xFFFF  }
0x63: {  	_ =	shalt  }

</sc_bundles>
